<compile_context>
chip_gen: v7x
topology: tpu7x:2x2x1
jax: 0.10.2.dev20260603
libtpu: 0.0.44.dev20260713+nightly
codegen_flags: <defaults>
</compile_context>

<pallas_src>
import dataclasses
import functools

import jax
import jax.numpy as jnp
from jax import lax
from jax.experimental import pallas as pl
from jax.experimental.pallas import tpu as pltpu
from jax.experimental.pallas import tpu_sc as plsc

_B = 4096
_C = 1000
_G = 4
_R = _B // _G

_NC = 2
_NS = 16
_L = 16
_NW = _NC * _NS
_PW = _B // _NW
_CT = 1024


def _hist_sc_body(y_hbm, out_hbm, idx_v, table_v):
    cid = lax.axis_index("c")
    sid = lax.axis_index("s")
    wid = sid * _NC + cid
    base = wid * _PW
    pltpu.sync_copy(y_hbm.at[pl.ds(base, _PW)], idx_v)
    zero = jnp.zeros((_L,), jnp.float32)
    for j in range(_CT // _L):
        table_v[pl.ds(j * _L, _L)] = zero
    ones = jnp.ones((_L,), jnp.float32)
    for j in range(_PW // _L):
        iv = idx_v[pl.ds(j * _L, _L)]
        plsc.addupdate_scatter(table_v, [iv], ones)
    pltpu.sync_copy(table_v, out_hbm.at[wid])


def _hist_sc(y):
    mesh = plsc.VectorSubcoreMesh(core_axis_name="c", subcore_axis_name="s")
    cp = pltpu.CompilerParams()
    if "needs_layout_passes" in pltpu.CompilerParams.__dataclass_fields__:
        cp = dataclasses.replace(cp, needs_layout_passes=False)
    k = pl.kernel(
        _hist_sc_body,
        out_type=jax.ShapeDtypeStruct((_NW, _CT), jnp.float32),
        mesh=mesh,
        scratch_types=[
            pltpu.VMEM((_PW,), jnp.int32),
            pltpu.VMEM((_CT,), jnp.float32),
        ],
        compiler_params=cp,
    )
    return k(y)


def _rce_tc_kernel(x_ref, hist_ref, out_ref, colsum_acc):
    i = pl.program_id(0)

    @pl.when(i == 0)
    def _init():
        colsum_acc[...] = jnp.zeros_like(colsum_acc)

    colsum_acc[...] += jnp.sum(x_ref[...], axis=0, keepdims=True)

    @pl.when(i == _G - 1)
    def _final():
        counts = jnp.sum(hist_ref[...], axis=0, keepdims=True)
        s = jnp.sum(colsum_acc[...] * counts[:, :_C], keepdims=True)
        out_ref[...] = 6.0 - (6.0 / (_B * _B)) * s


def kernel(x, y):
    hist = _hist_sc(y.astype(jnp.int32))
    out = pl.pallas_call(
        _rce_tc_kernel,
        grid=(_G,),
        in_specs=[
            pl.BlockSpec((_R, _C), lambda i: (i, 0)),
            pl.BlockSpec((_NW, _CT), lambda i: (0, 0)),
        ],
        out_specs=pl.BlockSpec((1, 1), lambda i: (0, 0)),
        out_shape=jax.ShapeDtypeStruct((1, 1), jnp.float32),
        scratch_shapes=[
            pltpu.VMEM((1, _C), jnp.float32),
        ],
    )(x, hist)
    return jnp.reshape(out, ())

# --- scband reference (transcript-rebuilt; emitter-appended) ---
"""Pipeline reference for scband-rce-37735582663174 (READ-ONLY COPY).

The authoritative reference and input builder live on the scoring server;
editing this copy changes nothing except your own understanding.
"""

import jax, jax.numpy as jnp
import numpy as np


def setup_inputs(seed: int = 0) -> dict:
    key = jax.random.key(seed)
    k1, k2 = jax.random.split(key)
    x = jax.random.uniform(k1, (4096, 1000), dtype=jnp.float32)
    y = jax.random.randint(k2, (4096,), 0, 1000, dtype=jnp.int64)
    return {"x": x, "y": y}


def reference(x, y):
    # Faithful translation of RCE.forward:
    #   py = x[:, y]  -> advanced indexing on dim 1 yields shape [B, B]
    #   return mean(-A * (1 - py)) with A = -6
    A = -6.0
    py = jnp.take(x, y, axis=1)  # shape [4096, 4096]
    return jnp.mean(-A * (1.0 - py))

if __name__ == "__main__":
    import jax
    _d = setup_inputs()
    print(jax.jit(kernel)(*tuple(_d.values())))

</pallas_src>

<mosaic_0001>
#map = affine_map<(d0, d1) -> (0)>
#map1 = affine_map<(d0, d1) -> (0, 0)>
module attributes {stable_mosaic.version = 14 : i64} {
  func.func @_hist_sc_body(%arg0: i32, %arg1: i32, %arg2: memref<4096xi32, #tpu.memory_space<hbm>>, %arg3: memref<32x1024xf32, #tpu.memory_space<hbm>>, %arg4: memref<128xi32, #tpu.memory_space<vmem>>, %arg5: memref<1024xf32, #tpu.memory_space<vmem>>) attributes {dimension_semantics = [#tpu.dimension_semantics<core_parallel>, #tpu.dimension_semantics<subcore_parallel>], iteration_bounds = array<i64: 2, 16>, scalar_prefetch = 0 : i64, scratch_operands = 2 : i64, tpu.core_type = #tpu.core_type<sc_vector_subcore>, window_params = [{transform_indices = #map}, {transform_indices = #map1}]} {
    %mul3A = arith.constant 2 : i32
    %mul3A_0 = arith.muli %arg1, %mul3A : i32
    %add3A = arith.addi %mul3A_0, %arg0 : i32
    %mul3A_1 = arith.constant 128 : i32
    %mul3A_2 = arith.muli %add3A, %mul3A_1 : i32
    "tpu.region"() ({
      %run_scoped3A = tpu.sem_alloc : memref<!tpu.dma_semaphore, #tpu.memory_space<semaphore_mem>>
      %dma_start3A = tpu.memref_slice %arg2[%mul3A_2] : memref<4096xi32, #tpu.memory_space<hbm>> -> memref<128xi32, #tpu.memory_space<hbm>>
      %dma_start3A_148 = tpu.memref_slice %arg2[%mul3A_2] : memref<4096xi32, #tpu.memory_space<hbm>> -> memref<128xi32, #tpu.memory_space<hbm>>
      tpu.enqueue_dma source(%dma_start3A_148 : memref<128xi32, #tpu.memory_space<hbm>>) target(%arg4 : memref<128xi32, #tpu.memory_space<vmem>>) target_semaphore(%run_scoped3A : memref<!tpu.dma_semaphore, #tpu.memory_space<semaphore_mem>>)
      %dma_wait3A = tpu.memref_slice %arg2[%mul3A_2] : memref<4096xi32, #tpu.memory_space<hbm>> -> memref<128xi32, #tpu.memory_space<hbm>>
      %dma_wait3A_149 = tpu.memref_slice %arg2[%mul3A_2] : memref<4096xi32, #tpu.memory_space<hbm>> -> memref<128xi32, #tpu.memory_space<hbm>>
      tpu.wait_dma2 semaphore(%run_scoped3A : memref<!tpu.dma_semaphore, #tpu.memory_space<semaphore_mem>>) src(%dma_wait3A_149 : memref<128xi32, #tpu.memory_space<hbm>>) dst(%arg4 : memref<128xi32, #tpu.memory_space<vmem>>)
      tpu.yield
    }) : () -> ()
    %broadcast_in_dim3A = arith.constant 0.000000e+00 : f32
    %broadcast_in_dim3A_3 = vector.broadcast %broadcast_in_dim3A : f32 to vector<16xf32>
    %swap3A = arith.constant 0 : index
    %swap3A_4 = tpu.vector_load %arg5[%swap3A] {strides = array<i32>} : memref<1024xf32, #tpu.memory_space<vmem>>, vector<16xf32>,
    tpu.vector_store %arg5[%swap3A], %broadcast_in_dim3A_3 {strides = array<i32>} : memref<1024xf32, #tpu.memory_space<vmem>>, vector<16xf32>,
    %swap3A_5 = arith.constant 16 : index
    %swap3A_6 = tpu.vector_load %arg5[%swap3A_5] {strides = array<i32>} : memref<1024xf32, #tpu.memory_space<vmem>>, vector<16xf32>,
    tpu.vector_store %arg5[%swap3A_5], %broadcast_in_dim3A_3 {strides = array<i32>} : memref<1024xf32, #tpu.memory_space<vmem>>, vector<16xf32>,
    %swap3A_7 = arith.constant 32 : index
    %swap3A_8 = tpu.vector_load %arg5[%swap3A_7] {strides = array<i32>} : memref<1024xf32, #tpu.memory_space<vmem>>, vector<16xf32>,
    tpu.vector_store %arg5[%swap3A_7], %broadcast_in_dim3A_3 {strides = array<i32>} : memref<1024xf32, #tpu.memory_space<vmem>>, vector<16xf32>,
    %swap3A_9 = arith.constant 48 : index
    %swap3A_10 = tpu.vector_load %arg5[%swap3A_9] {strides = array<i32>} : memref<1024xf32, #tpu.memory_space<vmem>>, vector<16xf32>,
    tpu.vector_store %arg5[%swap3A_9], %broadcast_in_dim3A_3 {strides = array<i32>} : memref<1024xf32, #tpu.memory_space<vmem>>, vector<16xf32>,
    %swap3A_11 = arith.constant 64 : index
    %swap3A_12 = tpu.vector_load %arg5[%swap3A_11] {strides = array<i32>} : memref<1024xf32, #tpu.memory_space<vmem>>, vector<16xf32>,
    tpu.vector_store %arg5[%swap3A_11], %broadcast_in_dim3A_3 {strides = array<i32>} : memref<1024xf32, #tpu.memory_space<vmem>>, vector<16xf32>,
    %swap3A_13 = arith.constant 80 : index
    %swap3A_14 = tpu.vector_load %arg5[%swap3A_13] {strides = array<i32>} : memref<1024xf32, #tpu.memory_space<vmem>>, vector<16xf32>,
    tpu.vector_store %arg5[%swap3A_13], %broadcast_in_dim3A_3 {strides = array<i32>} : memref<1024xf32, #tpu.memory_space<vmem>>, vector<16xf32>,
    %swap3A_15 = arith.constant 96 : index
    %swap3A_16 = tpu.vector_load %arg5[%swap3A_15] {strides = array<i32>} : memref<1024xf32, #tpu.memory_space<vmem>>, vector<16xf32>,
    tpu.vector_store %arg5[%swap3A_15], %broadcast_in_dim3A_3 {strides = array<i32>} : memref<1024xf32, #tpu.memory_space<vmem>>, vector<16xf32>,
    %swap3A_17 = arith.constant 112 : index
    %swap3A_18 = tpu.vector_load %arg5[%swap3A_17] {strides = array<i32>} : memref<1024xf32, #tpu.memory_space<vmem>>, vector<16xf32>,
    tpu.vector_store %arg5[%swap3A_17], %broadcast_in_dim3A_3 {strides = array<i32>} : memref<1024xf32, #tpu.memory_space<vmem>>, vector<16xf32>,
    %swap3A_19 = arith.constant 128 : index
    %swap3A_20 = tpu.vector_load %arg5[%swap3A_19] {strides = array<i32>} : memref<1024xf32, #tpu.memory_space<vmem>>, vector<16xf32>,
    tpu.vector_store %arg5[%swap3A_19], %broadcast_in_dim3A_3 {strides = array<i32>} : memref<1024xf32, #tpu.memory_space<vmem>>, vector<16xf32>,
    %swap3A_21 = arith.constant 144 : index
    %swap3A_22 = tpu.vector_load %arg5[%swap3A_21] {strides = array<i32>} : memref<1024xf32, #tpu.memory_space<vmem>>, vector<16xf32>,
    tpu.vector_store %arg5[%swap3A_21], %broadcast_in_dim3A_3 {strides = array<i32>} : memref<1024xf32, #tpu.memory_space<vmem>>, vector<16xf32>,
    %swap3A_23 = arith.constant 160 : index
    %swap3A_24 = tpu.vector_load %arg5[%swap3A_23] {strides = array<i32>} : memref<1024xf32, #tpu.memory_space<vmem>>, vector<16xf32>,
    tpu.vector_store %arg5[%swap3A_23], %broadcast_in_dim3A_3 {strides = array<i32>} : memref<1024xf32, #tpu.memory_space<vmem>>, vector<16xf32>,
    %swap3A_25 = arith.constant 176 : index
    %swap3A_26 = tpu.vector_load %arg5[%swap3A_25] {strides = array<i32>} : memref<1024xf32, #tpu.memory_space<vmem>>, vector<16xf32>,
    tpu.vector_store %arg5[%swap3A_25], %broadcast_in_dim3A_3 {strides = array<i32>} : memref<1024xf32, #tpu.memory_space<vmem>>, vector<16xf32>,
    %swap3A_27 = arith.constant 192 : index
    %swap3A_28 = tpu.vector_load %arg5[%swap3A_27] {strides = array<i32>} : memref<1024xf32, #tpu.memory_space<vmem>>, vector<16xf32>,
    tpu.vector_store %arg5[%swap3A_27], %broadcast_in_dim3A_3 {strides = array<i32>} : memref<1024xf32, #tpu.memory_space<vmem>>, vector<16xf32>,
    %swap3A_29 = arith.constant 208 : index
    %swap3A_30 = tpu.vector_load %arg5[%swap3A_29] {strides = array<i32>} : memref<1024xf32, #tpu.memory_space<vmem>>, vector<16xf32>,
    tpu.vector_store %arg5[%swap3A_29], %broadcast_in_dim3A_3 {strides = array<i32>} : memref<1024xf32, #tpu.memory_space<vmem>>, vector<16xf32>,
    %swap3A_31 = arith.constant 224 : index
    %swap3A_32 = tpu.vector_load %arg5[%swap3A_31] {strides = array<i32>} : memref<1024xf32, #tpu.memory_space<vmem>>, vector<16xf32>,
    tpu.vector_store %arg5[%swap3A_31], %broadcast_in_dim3A_3 {strides = array<i32>} : memref<1024xf32, #tpu.memory_space<vmem>>, vector<16xf32>,
    %swap3A_33 = arith.constant 240 : index
    %swap3A_34 = tpu.vector_load %arg5[%swap3A_33] {strides = array<i32>} : memref<1024xf32, #tpu.memory_space<vmem>>, vector<16xf32>,
    tpu.vector_store %arg5[%swap3A_33], %broadcast_in_dim3A_3 {strides = array<i32>} : memref<1024xf32, #tpu.memory_space<vmem>>, vector<16xf32>,
    %swap3A_35 = arith.constant 256 : index
    %swap3A_36 = tpu.vector_load %arg5[%swap3A_35] {strides = array<i32>} : memref<1024xf32, #tpu.memory_space<vmem>>, vector<16xf32>,
    tpu.vector_store %arg5[%swap3A_35], %broadcast_in_dim3A_3 {strides = array<i32>} : memref<1024xf32, #tpu.memory_space<vmem>>, vector<16xf32>,
    %swap3A_37 = arith.constant 272 : index
    %swap3A_38 = tpu.vector_load %arg5[%swap3A_37] {strides = array<i32>} : memref<1024xf32, #tpu.memory_space<vmem>>, vector<16xf32>,
    tpu.vector_store %arg5[%swap3A_37], %broadcast_in_dim3A_3 {strides = array<i32>} : memref<1024xf32, #tpu.memory_space<vmem>>, vector<16xf32>,
    %swap3A_39 = arith.constant 288 : index
    %swap3A_40 = tpu.vector_load %arg5[%swap3A_39] {strides = array<i32>} : memref<1024xf32, #tpu.memory_space<vmem>>, vector<16xf32>,
    tpu.vector_store %arg5[%swap3A_39], %broadcast_in_dim3A_3 {strides = array<i32>} : memref<1024xf32, #tpu.memory_space<vmem>>, vector<16xf32>,
    %swap3A_41 = arith.constant 304 : index
    %swap3A_42 = tpu.vector_load %arg5[%swap3A_41] {strides = array<i32>} : memref<1024xf32, #tpu.memory_space<vmem>>, vector<16xf32>,
    tpu.vector_store %arg5[%swap3A_41], %broadcast_in_dim3A_3 {strides = array<i32>} : memref<1024xf32, #tpu.memory_space<vmem>>, vector<16xf32>,
    %swap3A_43 = arith.constant 320 : index
    %swap3A_44 = tpu.vector_load %arg5[%swap3A_43] {strides = array<i32>} : memref<1024xf32, #tpu.memory_space<vmem>>, vector<16xf32>,
    tpu.vector_store %arg5[%swap3A_43], %broadcast_in_dim3A_3 {strides = array<i32>} : memref<1024xf32, #tpu.memory_space<vmem>>, vector<16xf32>,
    %swap3A_45 = arith.constant 336 : index
    %swap3A_46 = tpu.vector_load %arg5[%swap3A_45] {strides = array<i32>} : memref<1024xf32, #tpu.memory_space<vmem>>, vector<16xf32>,
    tpu.vector_store %arg5[%swap3A_45], %broadcast_in_dim3A_3 {strides = array<i32>} : memref<1024xf32, #tpu.memory_space<vmem>>, vector<16xf32>,
    %swap3A_47 = arith.constant 352 : index
    %swap3A_48 = tpu.vector_load %arg5[%swap3A_47] {strides = array<i32>} : memref<1024xf32, #tpu.memory_space<vmem>>, vector<16xf32>,
    tpu.vector_store %arg5[%swap3A_47], %broadcast_in_dim3A_3 {strides = array<i32>} : memref<1024xf32, #tpu.memory_space<vmem>>, vector<16xf32>,
    %swap3A_49 = arith.constant 368 : index
    %swap3A_50 = tpu.vector_load %arg5[%swap3A_49] {strides = array<i32>} : memref<1024xf32, #tpu.memory_space<vmem>>, vector<16xf32>,
    tpu.vector_store %arg5[%swap3A_49], %broadcast_in_dim3A_3 {strides = array<i32>} : memref<1024xf32, #tpu.memory_space<vmem>>, vector<16xf32>,
    %swap3A_51 = arith.constant 384 : index
    %swap3A_52 = tpu.vector_load %arg5[%swap3A_51] {strides = array<i32>} : memref<1024xf32, #tpu.memory_space<vmem>>, vector<16xf32>,
    tpu.vector_store %arg5[%swap3A_51], %broadcast_in_dim3A_3 {strides = array<i32>} : memref<1024xf32, #tpu.memory_space<vmem>>, vector<16xf32>,
    %swap3A_53 = arith.constant 400 : index
    %swap3A_54 = tpu.vector_load %arg5[%swap3A_53] {strides = array<i32>} : memref<1024xf32, #tpu.memory_space<vmem>>, vector<16xf32>,
    tpu.vector_store %arg5[%swap3A_53], %broadcast_in_dim3A_3 {strides = array<i32>} : memref<1024xf32, #tpu.memory_space<vmem>>, vector<16xf32>,
    %swap3A_55 = arith.constant 416 : index
    %swap3A_56 = tpu.vector_load %arg5[%swap3A_55] {strides = array<i32>} : memref<1024xf32, #tpu.memory_space<vmem>>, vector<16xf32>,
    tpu.vector_store %arg5[%swap3A_55], %broadcast_in_dim3A_3 {strides = array<i32>} : memref<1024xf32, #tpu.memory_space<vmem>>, vector<16xf32>,
    %swap3A_57 = arith.constant 432 : index
    %swap3A_58 = tpu.vector_load %arg5[%swap3A_57] {strides = array<i32>} : memref<1024xf32, #tpu.memory_space<vmem>>, vector<16xf32>,
    tpu.vector_store %arg5[%swap3A_57], %broadcast_in_dim3A_3 {strides = array<i32>} : memref<1024xf32, #tpu.memory_space<vmem>>, vector<16xf32>,
    %swap3A_59 = arith.constant 448 : index
    %swap3A_60 = tpu.vector_load %arg5[%swap3A_59] {strides = array<i32>} : memref<1024xf32, #tpu.memory_space<vmem>>, vector<16xf32>,
    tpu.vector_store %arg5[%swap3A_59], %broadcast_in_dim3A_3 {strides = array<i32>} : memref<1024xf32, #tpu.memory_space<vmem>>, vector<16xf32>,
    %swap3A_61 = arith.constant 464 : index
    %swap3A_62 = tpu.vector_load %arg5[%swap3A_61] {strides = array<i32>} : memref<1024xf32, #tpu.memory_space<vmem>>, vector<16xf32>,
    tpu.vector_store %arg5[%swap3A_61], %broadcast_in_dim3A_3 {strides = array<i32>} : memref<1024xf32, #tpu.memory_space<vmem>>, vector<16xf32>,
    %swap3A_63 = arith.constant 480 : index
    %swap3A_64 = tpu.vector_load %arg5[%swap3A_63] {strides = array<i32>} : memref<1024xf32, #tpu.memory_space<vmem>>, vector<16xf32>,
    tpu.vector_store %arg5[%swap3A_63], %broadcast_in_dim3A_3 {strides = array<i32>} : memref<1024xf32, #tpu.memory_space<vmem>>, vector<16xf32>,
    %swap3A_65 = arith.constant 496 : index
    %swap3A_66 = tpu.vector_load %arg5[%swap3A_65] {strides = array<i32>} : memref<1024xf32, #tpu.memory_space<vmem>>, vector<16xf32>,
    tpu.vector_store %arg5[%swap3A_65], %broadcast_in_dim3A_3 {strides = array<i32>} : memref<1024xf32, #tpu.memory_space<vmem>>, vector<16xf32>,
    %swap3A_67 = arith.constant 512 : index
    %swap3A_68 = tpu.vector_load %arg5[%swap3A_67] {strides = array<i32>} : memref<1024xf32, #tpu.memory_space<vmem>>, vector<16xf32>,
    tpu.vector_store %arg5[%swap3A_67], %broadcast_in_dim3A_3 {strides = array<i32>} : memref<1024xf32, #tpu.memory_space<vmem>>, vector<16xf32>,
    %swap3A_69 = arith.constant 528 : index
    %swap3A_70 = tpu.vector_load %arg5[%swap3A_69] {strides = array<i32>} : memref<1024xf32, #tpu.memory_space<vmem>>, vector<16xf32>,
    tpu.vector_store %arg5[%swap3A_69], %broadcast_in_dim3A_3 {strides = array<i32>} : memref<1024xf32, #tpu.memory_space<vmem>>, vector<16xf32>,
    %swap3A_71 = arith.constant 544 : index
    %swap3A_72 = tpu.vector_load %arg5[%swap3A_71] {strides = array<i32>} : memref<1024xf32, #tpu.memory_space<vmem>>, vector<16xf32>,
    tpu.vector_store %arg5[%swap3A_71], %broadcast_in_dim3A_3 {strides = array<i32>} : memref<1024xf32, #tpu.memory_space<vmem>>, vector<16xf32>,
    %swap3A_73 = arith.constant 560 : index
    %swap3A_74 = tpu.vector_load %arg5[%swap3A_73] {strides = array<i32>} : memref<1024xf32, #tpu.memory_space<vmem>>, vector<16xf32>,
    tpu.vector_store %arg5[%swap3A_73], %broadcast_in_dim3A_3 {strides = array<i32>} : memref<1024xf32, #tpu.memory_space<vmem>>, vector<16xf32>,
    %swap3A_75 = arith.constant 576 : index
    %swap3A_76 = tpu.vector_load %arg5[%swap3A_75] {strides = array<i32>} : memref<1024xf32, #tpu.memory_space<vmem>>, vector<16xf32>,
    tpu.vector_store %arg5[%swap3A_75], %broadcast_in_dim3A_3 {strides = array<i32>} : memref<1024xf32, #tpu.memory_space<vmem>>, vector<16xf32>,
    %swap3A_77 = arith.constant 592 : index
    %swap3A_78 = tpu.vector_load %arg5[%swap3A_77] {strides = array<i32>} : memref<1024xf32, #tpu.memory_space<vmem>>, vector<16xf32>,
    tpu.vector_store %arg5[%swap3A_77], %broadcast_in_dim3A_3 {strides = array<i32>} : memref<1024xf32, #tpu.memory_space<vmem>>, vector<16xf32>,
    %swap3A_79 = arith.constant 608 : index
    %swap3A_80 = tpu.vector_load %arg5[%swap3A_79] {strides = array<i32>} : memref<1024xf32, #tpu.memory_space<vmem>>, vector<16xf32>,
    tpu.vector_store %arg5[%swap3A_79], %broadcast_in_dim3A_3 {strides = array<i32>} : memref<1024xf32, #tpu.memory_space<vmem>>, vector<16xf32>,
    %swap3A_81 = arith.constant 624 : index
    %swap3A_82 = tpu.vector_load %arg5[%swap3A_81] {strides = array<i32>} : memref<1024xf32, #tpu.memory_space<vmem>>, vector<16xf32>,
    tpu.vector_store %arg5[%swap3A_81], %broadcast_in_dim3A_3 {strides = array<i32>} : memref<1024xf32, #tpu.memory_space<vmem>>, vector<16xf32>,
    %swap3A_83 = arith.constant 640 : index
    %swap3A_84 = tpu.vector_load %arg5[%swap3A_83] {strides = array<i32>} : memref<1024xf32, #tpu.memory_space<vmem>>, vector<16xf32>,
    tpu.vector_store %arg5[%swap3A_83], %broadcast_in_dim3A_3 {strides = array<i32>} : memref<1024xf32, #tpu.memory_space<vmem>>, vector<16xf32>,
    %swap3A_85 = arith.constant 656 : index
    %swap3A_86 = tpu.vector_load %arg5[%swap3A_85] {strides = array<i32>} : memref<1024xf32, #tpu.memory_space<vmem>>, vector<16xf32>,
    tpu.vector_store %arg5[%swap3A_85], %broadcast_in_dim3A_3 {strides = array<i32>} : memref<1024xf32, #tpu.memory_space<vmem>>, vector<16xf32>,
    %swap3A_87 = arith.constant 672 : index
    %swap3A_88 = tpu.vector_load %arg5[%swap3A_87] {strides = array<i32>} : memref<1024xf32, #tpu.memory_space<vmem>>, vector<16xf32>,
    tpu.vector_store %arg5[%swap3A_87], %broadcast_in_dim3A_3 {strides = array<i32>} : memref<1024xf32, #tpu.memory_space<vmem>>, vector<16xf32>,
    %swap3A_89 = arith.constant 688 : index
    %swap3A_90 = tpu.vector_load %arg5[%swap3A_89] {strides = array<i32>} : memref<1024xf32, #tpu.memory_space<vmem>>, vector<16xf32>,
    tpu.vector_store %arg5[%swap3A_89], %broadcast_in_dim3A_3 {strides = array<i32>} : memref<1024xf32, #tpu.memory_space<vmem>>, vector<16xf32>,
    %swap3A_91 = arith.constant 704 : index
    %swap3A_92 = tpu.vector_load %arg5[%swap3A_91] {strides = array<i32>} : memref<1024xf32, #tpu.memory_space<vmem>>, vector<16xf32>,
    tpu.vector_store %arg5[%swap3A_91], %broadcast_in_dim3A_3 {strides = array<i32>} : memref<1024xf32, #tpu.memory_space<vmem>>, vector<16xf32>,
    %swap3A_93 = arith.constant 720 : index
    %swap3A_94 = tpu.vector_load %arg5[%swap3A_93] {strides = array<i32>} : memref<1024xf32, #tpu.memory_space<vmem>>, vector<16xf32>,
    tpu.vector_store %arg5[%swap3A_93], %broadcast_in_dim3A_3 {strides = array<i32>} : memref<1024xf32, #tpu.memory_space<vmem>>, vector<16xf32>,
    %swap3A_95 = arith.constant 736 : index
    %swap3A_96 = tpu.vector_load %arg5[%swap3A_95] {strides = array<i32>} : memref<1024xf32, #tpu.memory_space<vmem>>, vector<16xf32>,
    tpu.vector_store %arg5[%swap3A_95], %broadcast_in_dim3A_3 {strides = array<i32>} : memref<1024xf32, #tpu.memory_space<vmem>>, vector<16xf32>,
    %swap3A_97 = arith.constant 752 : index
    %swap3A_98 = tpu.vector_load %arg5[%swap3A_97] {strides = array<i32>} : memref<1024xf32, #tpu.memory_space<vmem>>, vector<16xf32>,
    tpu.vector_store %arg5[%swap3A_97], %broadcast_in_dim3A_3 {strides = array<i32>} : memref<1024xf32, #tpu.memory_space<vmem>>, vector<16xf32>,
    %swap3A_99 = arith.constant 768 : index
    %swap3A_100 = tpu.vector_load %arg5[%swap3A_99] {strides = array<i32>} : memref<1024xf32, #tpu.memory_space<vmem>>, vector<16xf32>,
    tpu.vector_store %arg5[%swap3A_99], %broadcast_in_dim3A_3 {strides = array<i32>} : memref<1024xf32, #tpu.memory_space<vmem>>, vector<16xf32>,
    %swap3A_101 = arith.constant 784 : index
    %swap3A_102 = tpu.vector_load %arg5[%swap3A_101] {strides = array<i32>} : memref<1024xf32, #tpu.memory_space<vmem>>, vector<16xf32>,
    tpu.vector_store %arg5[%swap3A_101], %broadcast_in_dim3A_3 {strides = array<i32>} : memref<1024xf32, #tpu.memory_space<vmem>>, vector<16xf32>,
    %swap3A_103 = arith.constant 800 : index
    %swap3A_104 = tpu.vector_load %arg5[%swap3A_103] {strides = array<i32>} : memref<1024xf32, #tpu.memory_space<vmem>>, vector<16xf32>,
    tpu.vector_store %arg5[%swap3A_103], %broadcast_in_dim3A_3 {strides = array<i32>} : memref<1024xf32, #tpu.memory_space<vmem>>, vector<16xf32>,
    %swap3A_105 = arith.constant 816 : index
    %swap3A_106 = tpu.vector_load %arg5[%swap3A_105] {strides = array<i32>} : memref<1024xf32, #tpu.memory_space<vmem>>, vector<16xf32>,
    tpu.vector_store %arg5[%swap3A_105], %broadcast_in_dim3A_3 {strides = array<i32>} : memref<1024xf32, #tpu.memory_space<vmem>>, vector<16xf32>,
    %swap3A_107 = arith.constant 832 : index
    %swap3A_108 = tpu.vector_load %arg5[%swap3A_107] {strides = array<i32>} : memref<1024xf32, #tpu.memory_space<vmem>>, vector<16xf32>,
    tpu.vector_store %arg5[%swap3A_107], %broadcast_in_dim3A_3 {strides = array<i32>} : memref<1024xf32, #tpu.memory_space<vmem>>, vector<16xf32>,
    %swap3A_109 = arith.constant 848 : index
    %swap3A_110 = tpu.vector_load %arg5[%swap3A_109] {strides = array<i32>} : memref<1024xf32, #tpu.memory_space<vmem>>, vector<16xf32>,
    tpu.vector_store %arg5[%swap3A_109], %broadcast_in_dim3A_3 {strides = array<i32>} : memref<1024xf32, #tpu.memory_space<vmem>>, vector<16xf32>,
    %swap3A_111 = arith.constant 864 : index
    %swap3A_112 = tpu.vector_load %arg5[%swap3A_111] {strides = array<i32>} : memref<1024xf32, #tpu.memory_space<vmem>>, vector<16xf32>,
    tpu.vector_store %arg5[%swap3A_111], %broadcast_in_dim3A_3 {strides = array<i32>} : memref<1024xf32, #tpu.memory_space<vmem>>, vector<16xf32>,
    %swap3A_113 = arith.constant 880 : index
    %swap3A_114 = tpu.vector_load %arg5[%swap3A_113] {strides = array<i32>} : memref<1024xf32, #tpu.memory_space<vmem>>, vector<16xf32>,
    tpu.vector_store %arg5[%swap3A_113], %broadcast_in_dim3A_3 {strides = array<i32>} : memref<1024xf32, #tpu.memory_space<vmem>>, vector<16xf32>,
    %swap3A_115 = arith.constant 896 : index
    %swap3A_116 = tpu.vector_load %arg5[%swap3A_115] {strides = array<i32>} : memref<1024xf32, #tpu.memory_space<vmem>>, vector<16xf32>,
    tpu.vector_store %arg5[%swap3A_115], %broadcast_in_dim3A_3 {strides = array<i32>} : memref<1024xf32, #tpu.memory_space<vmem>>, vector<16xf32>,
    %swap3A_117 = arith.constant 912 : index
    %swap3A_118 = tpu.vector_load %arg5[%swap3A_117] {strides = array<i32>} : memref<1024xf32, #tpu.memory_space<vmem>>, vector<16xf32>,
    tpu.vector_store %arg5[%swap3A_117], %broadcast_in_dim3A_3 {strides = array<i32>} : memref<1024xf32, #tpu.memory_space<vmem>>, vector<16xf32>,
    %swap3A_119 = arith.constant 928 : index
    %swap3A_120 = tpu.vector_load %arg5[%swap3A_119] {strides = array<i32>} : memref<1024xf32, #tpu.memory_space<vmem>>, vector<16xf32>,
    tpu.vector_store %arg5[%swap3A_119], %broadcast_in_dim3A_3 {strides = array<i32>} : memref<1024xf32, #tpu.memory_space<vmem>>, vector<16xf32>,
    %swap3A_121 = arith.constant 944 : index
    %swap3A_122 = tpu.vector_load %arg5[%swap3A_121] {strides = array<i32>} : memref<1024xf32, #tpu.memory_space<vmem>>, vector<16xf32>,
    tpu.vector_store %arg5[%swap3A_121], %broadcast_in_dim3A_3 {strides = array<i32>} : memref<1024xf32, #tpu.memory_space<vmem>>, vector<16xf32>,
    %swap3A_123 = arith.constant 960 : index
    %swap3A_124 = tpu.vector_load %arg5[%swap3A_123] {strides = array<i32>} : memref<1024xf32, #tpu.memory_space<vmem>>, vector<16xf32>,
    tpu.vector_store %arg5[%swap3A_123], %broadcast_in_dim3A_3 {strides = array<i32>} : memref<1024xf32, #tpu.memory_space<vmem>>, vector<16xf32>,
    %swap3A_125 = arith.constant 976 : index
    %swap3A_126 = tpu.vector_load %arg5[%swap3A_125] {strides = array<i32>} : memref<1024xf32, #tpu.memory_space<vmem>>, vector<16xf32>,
    tpu.vector_store %arg5[%swap3A_125], %broadcast_in_dim3A_3 {strides = array<i32>} : memref<1024xf32, #tpu.memory_space<vmem>>, vector<16xf32>,
    %swap3A_127 = arith.constant 992 : index
    %swap3A_128 = tpu.vector_load %arg5[%swap3A_127] {strides = array<i32>} : memref<1024xf32, #tpu.memory_space<vmem>>, vector<16xf32>,
    tpu.vector_store %arg5[%swap3A_127], %broadcast_in_dim3A_3 {strides = array<i32>} : memref<1024xf32, #tpu.memory_space<vmem>>, vector<16xf32>,
    %swap3A_129 = arith.constant 1008 : index
    %swap3A_130 = tpu.vector_load %arg5[%swap3A_129] {strides = array<i32>} : memref<1024xf32, #tpu.memory_space<vmem>>, vector<16xf32>,
    tpu.vector_store %arg5[%swap3A_129], %broadcast_in_dim3A_3 {strides = array<i32>} : memref<1024xf32, #tpu.memory_space<vmem>>, vector<16xf32>,
    %broadcast_in_dim3A_131 = arith.constant 1.000000e+00 : f32
    %broadcast_in_dim3A_132 = vector.broadcast %broadcast_in_dim3A_131 : f32 to vector<16xf32>
    %get3A = arith.constant 0 : index
    %get3A_133 = tpu.vector_load %arg4[%get3A] {strides = array<i32>} : memref<128xi32, #tpu.memory_space<vmem>>, vector<16xi32>,
    tpu.vector_store_idx %arg5[%get3A_133], %broadcast_in_dim3A_132 {add = true} : memref<1024xf32, #tpu.memory_space<vmem>>[vector<16xi32>], vector<16xf32>,
    %get3A_134 = arith.constant 16 : index
    %get3A_135 = tpu.vector_load %arg4[%get3A_134] {strides = array<i32>} : memref<128xi32, #tpu.memory_space<vmem>>, vector<16xi32>,
    tpu.vector_store_idx %arg5[%get3A_135], %broadcast_in_dim3A_132 {add = true} : memref<1024xf32, #tpu.memory_space<vmem>>[vector<16xi32>], vector<16xf32>,
    %get3A_136 = arith.constant 32 : index
    %get3A_137 = tpu.vector_load %arg4[%get3A_136] {strides = array<i32>} : memref<128xi32, #tpu.memory_space<vmem>>, vector<16xi32>,
    tpu.vector_store_idx %arg5[%get3A_137], %broadcast_in_dim3A_132 {add = true} : memref<1024xf32, #tpu.memory_space<vmem>>[vector<16xi32>], vector<16xf32>,
    %get3A_138 = arith.constant 48 : index
    %get3A_139 = tpu.vector_load %arg4[%get3A_138] {strides = array<i32>} : memref<128xi32, #tpu.memory_space<vmem>>, vector<16xi32>,
    tpu.vector_store_idx %arg5[%get3A_139], %broadcast_in_dim3A_132 {add = true} : memref<1024xf32, #tpu.memory_space<vmem>>[vector<16xi32>], vector<16xf32>,
    %get3A_140 = arith.constant 64 : index
    %get3A_141 = tpu.vector_load %arg4[%get3A_140] {strides = array<i32>} : memref<128xi32, #tpu.memory_space<vmem>>, vector<16xi32>,
    tpu.vector_store_idx %arg5[%get3A_141], %broadcast_in_dim3A_132 {add = true} : memref<1024xf32, #tpu.memory_space<vmem>>[vector<16xi32>], vector<16xf32>,
    %get3A_142 = arith.constant 80 : index
    %get3A_143 = tpu.vector_load %arg4[%get3A_142] {strides = array<i32>} : memref<128xi32, #tpu.memory_space<vmem>>, vector<16xi32>,
    tpu.vector_store_idx %arg5[%get3A_143], %broadcast_in_dim3A_132 {add = true} : memref<1024xf32, #tpu.memory_space<vmem>>[vector<16xi32>], vector<16xf32>,
    %get3A_144 = arith.constant 96 : index
    %get3A_145 = tpu.vector_load %arg4[%get3A_144] {strides = array<i32>} : memref<128xi32, #tpu.memory_space<vmem>>, vector<16xi32>,
    tpu.vector_store_idx %arg5[%get3A_145], %broadcast_in_dim3A_132 {add = true} : memref<1024xf32, #tpu.memory_space<vmem>>[vector<16xi32>], vector<16xf32>,
    %get3A_146 = arith.constant 112 : index
    %get3A_147 = tpu.vector_load %arg4[%get3A_146] {strides = array<i32>} : memref<128xi32, #tpu.memory_space<vmem>>, vector<16xi32>,
    tpu.vector_store_idx %arg5[%get3A_147], %broadcast_in_dim3A_132 {add = true} : memref<1024xf32, #tpu.memory_space<vmem>>[vector<16xi32>], vector<16xf32>,
    "tpu.region"() ({
      %run_scoped3A = tpu.sem_alloc : memref<!tpu.dma_semaphore, #tpu.memory_space<semaphore_mem>>
      %dma_start3A = arith.constant 0 : i32
      %dma_start3A_148 = tpu.memref_slice %arg3[%add3A, %dma_start3A] : memref<32x1024xf32, #tpu.memory_space<hbm>> -> memref<1x1024xf32, #tpu.memory_space<hbm>>
      %dma_start3A_149 = tpu.memref_squeeze %dma_start3A_148 : memref<1x1024xf32, #tpu.memory_space<hbm>> -> memref<1024xf32, #tpu.memory_space<hbm>>
      %dma_start3A_150 = arith.constant 0 : i32
      %dma_start3A_151 = tpu.memref_slice %arg3[%add3A, %dma_start3A_150] : memref<32x1024xf32, #tpu.memory_space<hbm>> -> memref<1x1024xf32, #tpu.memory_space<hbm>>
      %dma_start3A_152 = tpu.memref_squeeze %dma_start3A_151 : memref<1x1024xf32, #tpu.memory_space<hbm>> -> memref<1024xf32, #tpu.memory_space<hbm>>
      tpu.enqueue_dma source(%arg5 : memref<1024xf32, #tpu.memory_space<vmem>>) target(%dma_start3A_152 : memref<1024xf32, #tpu.memory_space<hbm>>) target_semaphore(%run_scoped3A : memref<!tpu.dma_semaphore, #tpu.memory_space<semaphore_mem>>)
      %dma_wait3A = arith.constant 0 : i32
      %dma_wait3A_153 = tpu.memref_slice %arg3[%add3A, %dma_wait3A] : memref<32x1024xf32, #tpu.memory_space<hbm>> -> memref<1x1024xf32, #tpu.memory_space<hbm>>
      %dma_wait3A_154 = tpu.memref_squeeze %dma_wait3A_153 : memref<1x1024xf32, #tpu.memory_space<hbm>> -> memref<1024xf32, #tpu.memory_space<hbm>>
      %dma_wait3A_155 = arith.constant 0 : i32
      %dma_wait3A_156 = tpu.memref_slice %arg3[%add3A, %dma_wait3A_155] : memref<32x1024xf32, #tpu.memory_space<hbm>> -> memref<1x1024xf32, #tpu.memory_space<hbm>>
      %dma_wait3A_157 = tpu.memref_squeeze %dma_wait3A_156 : memref<1x1024xf32, #tpu.memory_space<hbm>> -> memref<1024xf32, #tpu.memory_space<hbm>>
      tpu.wait_dma2 semaphore(%run_scoped3A : memref<!tpu.dma_semaphore, #tpu.memory_space<semaphore_mem>>) src(%arg5 : memref<1024xf32, #tpu.memory_space<vmem>>) dst(%dma_wait3A_157 : memref<1024xf32, #tpu.memory_space<hbm>>)
      tpu.yield
    }) : () -> ()
    return
  }
}

module attributes {stable_mosaic.version = 14 : i64} {
  func.func @_rce_tc_kernel(%arg0: i32, %arg1: memref<1024x1000xf32, #tpu.memory_space<vmem>>, %arg2: memref<32x1024xf32, #tpu.memory_space<vmem>>, %arg3: memref<1x1xf32, #tpu.memory_space<vmem>>, %arg4: memref<1x1000xf32, #tpu.memory_space<vmem>>) attributes {dimension_semantics = [#tpu.dimension_semantics<arbitrary>], iteration_bounds = array<i64: 4>, scalar_prefetch = 0 : i64, scratch_operands = 1 : i64, tpu.core_type = #tpu.core_type<tc>, window_params = [{transform_indices = @transform_0, window_bounds = array<i64: 1024, 1000>}, {pipeline_mode = #tpu.pipeline_mode<synchronous>, transform_indices = @transform_1, window_bounds = array<i64: 32, 1024>}, {pipeline_mode = #tpu.pipeline_mode<synchronous>, transform_indices = @transform_2, window_bounds = array<i64: 1, 1>}]} {
    %eq3A = arith.constant 0 : i32
    %eq3A_0 = arith.cmpi eq, %arg0, %eq3A : i32
    %convert_element_type3A = arith.extui %eq3A_0 : i1 to i32
    %cond3A = arith.constant 0 : i32
    %cond3A_1 = arith.cmpi ne, %convert_element_type3A, %cond3A : i32
    scf.if %cond3A_1 {
      %broadcast_in_dim3A_15 = arith.constant 0.000000e+00 : f32
      %broadcast_in_dim3A_16 = vector.broadcast %broadcast_in_dim3A_15 : f32 to vector<1x1000xf32>
      %swap3A_17 = arith.constant 0 : index
      %swap3A_18 = arith.constant 0 : index
      %swap3A_19 = vector.load %arg4[%swap3A_17, %swap3A_18] : memref<1x1000xf32, #tpu.memory_space<vmem>>, vector<1x1000xf32>
      tpu.vector_store %arg4[%swap3A_17, %swap3A_18], %broadcast_in_dim3A_16 {strides = array<i32>} : memref<1x1000xf32, #tpu.memory_space<vmem>>, vector<1x1000xf32>,
    } else {
    }
    %get3A = arith.constant 0 : index
    %get3A_2 = arith.constant 0 : index
    %get3A_3 = vector.load %arg4[%get3A, %get3A_2] : memref<1x1000xf32, #tpu.memory_space<vmem>>, vector<1x1000xf32>
    %get3A_4 = arith.constant 0 : index
    %get3A_5 = arith.constant 0 : index
    %get3A_6 = vector.load %arg1[%get3A_4, %get3A_5] : memref<1024x1000xf32, #tpu.memory_space<vmem>>, vector<1024x1000xf32>
    %reduce_sum3A = arith.constant dense<0.000000e+00> : vector<1000xf32>
    %reduce_sum3A_7 = vector.multi_reduction <add>, %get3A_6, %reduce_sum3A [0] : vector<1024x1000xf32> to vector<1000xf32>
    %broadcast_in_dim3A = vector.shape_cast %reduce_sum3A_7 : vector<1000xf32> to vector<1x1000xf32>
    %add3A = arith.addf %get3A_3, %broadcast_in_dim3A : vector<1x1000xf32>
    %swap3A = arith.constant 0 : index
    %swap3A_8 = arith.constant 0 : index
    %swap3A_9 = vector.load %arg4[%swap3A, %swap3A_8] : memref<1x1000xf32, #tpu.memory_space<vmem>>, vector<1x1000xf32>
    tpu.vector_store %arg4[%swap3A, %swap3A_8], %add3A {strides = array<i32>} : memref<1x1000xf32, #tpu.memory_space<vmem>>, vector<1x1000xf32>,
    %eq3A_10 = arith.constant 3 : i32
    %eq3A_11 = arith.cmpi eq, %arg0, %eq3A_10 : i32
    %convert_element_type3A_12 = arith.extui %eq3A_11 : i1 to i32
    %cond3A_13 = arith.constant 0 : i32
    %cond3A_14 = arith.cmpi ne, %convert_element_type3A_12, %cond3A_13 : i32
    scf.if %cond3A_14 {
      %get3A_15 = arith.constant 0 : index
      %get3A_16 = arith.constant 0 : index
      %get3A_17 = vector.load %arg2[%get3A_15, %get3A_16] : memref<32x1024xf32, #tpu.memory_space<vmem>>, vector<32x1024xf32>
      %reduce_sum3A_18 = arith.constant dense<0.000000e+00> : vector<1024xf32>
      %reduce_sum3A_19 = vector.multi_reduction <add>, %get3A_17, %reduce_sum3A_18 [0] : vector<32x1024xf32> to vector<1024xf32>
      %broadcast_in_dim3A_20 = vector.shape_cast %reduce_sum3A_19 : vector<1024xf32> to vector<1x1024xf32>
      %get3A_21 = arith.constant 0 : index
      %get3A_22 = arith.constant 0 : index
      %get3A_23 = vector.load %arg4[%get3A_21, %get3A_22] : memref<1x1000xf32, #tpu.memory_space<vmem>>, vector<1x1000xf32>
      %slice3A = vector.extract_strided_slice %broadcast_in_dim3A_20 {offsets = [0, 0], sizes = [1, 1000], strides = [1, 1]} : vector<1x1024xf32> to vector<1x1000xf32>
      %mul3A = arith.mulf %get3A_23, %slice3A : vector<1x1000xf32>
      %reduce_sum3A_24 = vector.shape_cast %mul3A : vector<1x1000xf32> to vector<1x1x1000xf32>
      %reduce_sum3A_25 = arith.constant dense<0.000000e+00> : vector<1xf32>
      %reduce_sum3A_26 = vector.multi_reduction <add>, %reduce_sum3A_24, %reduce_sum3A_25 [1, 2] : vector<1x1x1000xf32> to vector<1xf32>
      %reduce_sum3A_27 = vector.shape_cast %reduce_sum3A_26 : vector<1xf32> to vector<1x1x1xf32>
      %reduce_sum3A_28 = vector.extract %reduce_sum3A_27[0, 0, 0] : f32 from vector<1x1x1xf32>
      %broadcast_in_dim3A_29 = vector.broadcast %reduce_sum3A_28 : f32 to vector<1x1xf32>
      %mul3A_30 = arith.constant 3.57627869E-7 : f32
      %mul3A_31 = vector.broadcast %mul3A_30 : f32 to vector<1x1xf32>
      %mul3A_32 = arith.mulf %mul3A_31, %broadcast_in_dim3A_29 : vector<1x1xf32>
      %sub3A = arith.constant 6.000000e+00 : f32
      %sub3A_33 = vector.broadcast %sub3A : f32 to vector<1x1xf32>
      %sub3A_34 = arith.subf %sub3A_33, %mul3A_32 : vector<1x1xf32>
      %swap3A_35 = arith.constant 0 : index
      %swap3A_36 = arith.constant 0 : index
      %swap3A_37 = vector.load %arg3[%swap3A_35, %swap3A_36] : memref<1x1xf32, #tpu.memory_space<vmem>>, vector<1x1xf32>
      tpu.vector_store %arg3[%swap3A_35, %swap3A_36], %sub3A_34 {strides = array<i32>} : memref<1x1xf32, #tpu.memory_space<vmem>>, vector<1x1xf32>,
    } else {
    }
    return
  }
  func.func @transform_0(%arg0: i32) -> (i32, i32) {
    %c0_i32 = arith.constant 0 : i32
    %c0_i32_0 = arith.constant 0 : i32
    return %arg0, %c0_i32 : i32, i32
  }
  func.func @transform_1(%arg0: i32) -> (i32, i32) {
    %c0_i32 = arith.constant 0 : i32
    %c0_i32_0 = arith.constant 0 : i32
    %c0_i32_1 = arith.constant 0 : i32
    return %c0_i32, %c0_i32_0 : i32, i32
  }
  func.func @transform_2(%arg0: i32) -> (i32, i32) {
    %c0_i32 = arith.constant 0 : i32
    %c0_i32_0 = arith.constant 0 : i32
    %c0_i32_1 = arith.constant 0 : i32
    return %c0_i32, %c0_i32_0 : i32, i32
  }
}

</mosaic_0001>

<sc_bundles>
// kernel: kernel.4.cloned.1.call-start
scs
__scs_entry_jumppad:
0x0: {  	(pc) =	sbr.rel $0x88, $3  }
0x1: {  	(tag) =	ssettag $0x0;
	lr =	simm.s32 $0x1  }
0x2: {  	[smem:$0x3F9F] =	sst lr;
	_ =	strace $0xD0000000  }
0x3: {  	_ = 	snop  }
0x4: {  	_ = 	snop  }
0x5: {  	_ = 	snop  }
0x6: {  	_ = 	snop  }
0x7: {  	_ = 	snop  }
__scs_overlays_trampoline_lowered:
0x8: {  	[smem:$0x3FAE] =	sst s0  }
0x9: {  	[smem:$0x3FAF] =	sst s1  }
0xa: {  	[smem:$0x3FB0] =	sst s2  }
0xb: {  	[smem:$0x3FB1] =	sst s3  }
0xc: {  	[smem:$0x3FB2] =	sst s4  }
0xd: {  	[smem:$0x3FB3] =	sst s5  }
0xe: {  	[smem:$0x3FB4] =	sst s6  }
0xf: {  	[smem:$0x3FB5] =	sst s7  }
0x10: {  	[smem:$0x3FB6] =	sst s8  }
0x11: {  	[smem:$0x3FB7] =	sst s9;
	s0 =	simm.s32 @!p0 $0x0  }
0x12: {  	s1 =	sld [smem:$0x3F9D];
	s0 =	simm.s32 @p0 $0x1  }
0x13: {  	[smem:$0x3FB8] =	sst s0;
	s0 =	simm.s32 @!p1 $0x0  }
0x14: {  	s2 =	sld [smem:$0x3F9C];
	s0 =	simm.s32 @p1 $0x1  }
0x15: {  	[smem:$0x3FB9] =	sst s0;
	s0 =	simm.s32 @!p2 $0x0  }
0x16: {  	s3 =	sld [smem:$0x3FDB];
	s0 =	simm.s32 @p2 $0x1  }
0x17: {  	s4 =	simm.s32 $0x1BF5;
	[smem:$0x3FBB] =	sst s0  }
0x18: {  	s0 =	sld [smem:$0x3F9E];
	_ =	swait.ge [sflag:s4], $0x0  }
0x19: {  	s7 =	sld [smem:$0x3F9F]  }
0x1a: {  	s8 =	sadd.s32 $0xFFFFE003, lr  }
0x1b: {  	s9 =	sadd.s32 $0xFFFFFEF7, lr;
	s5 =	simm.s32 $0xFFFFFFFF;
	p2 =	slt.u32 s8, $0xFFFFF086  }
0x1c: {  	p1 =	slt.u32 s9, $0xF7A;
	s5 =	simm.s32 @!p2 $0x0  }
0x1d: {  	s5 =	simm.s32 @p1 $0x1;
	p0 =	seq.s32 s7, s2  }
0x1e: {  	s7 =	smul.u32 @!p0 $0xF7A, s2;
	p2 =	seq.s32 @!p0 s5, $0x0  }
0x1f: {  	s9 =	smul.u32 $0xF7A, s1;
	s8 =	simm.s32 @!p0 $0x1BF5;
	p2 =	por !p2, p0  }
0x20: {  	[sflag:s8] =	ssyncset.s32 @!p0 $0xFFFFF086;
	s6 =	sadd.s32 @!p0 s3, s7;
	s7 =	simm.s32 @!p0 $0x108  }
0x21: {  	s3 =	sadd.s32 s3, s9;
	s6 =	sadd.s32 @!p0 $0x88, s6;
	s7 =	simm.s32 @p2 $0x1082  }
0x22: {  	[simem:s7], [sflag:s8] =	dma.local @!p0 [hbm:s6], $0xF7A  }
0x23: {  	s9 =	sor.u32 $0xD0000000, s2;
	s6 =	simm.s32 $0x108;
	_ =	swait.ge @!p0 [sflag:s8], $0x0  }
0x24: {  	s3 =	sadd.s32 $0x88, s3;
	s6 =	simm.s32 @!p1 $0x1082;
	[sflag:s4] =	ssyncset.s32 $0xFFFFF086  }
0x25: {  	[simem:s6], [sflag:s4] =	dma.local [hbm:s3], $0xF7A  }
0x26: {  	[smem:$0x3F9F] =	sst s1;
	(tag) =	ssettag s2;
	_ =	strace s9  }
0x27: {  	s1 =	sld [smem:$0x3FAF]  }
0x28: {  	s2 =	sld [smem:$0x3FB0]  }
0x29: {  	s4 =	sld [smem:$0x3FB2]  }
0x2a: {  	p0 =	seq.s32 s5, $0x0;
	s5 =	sld [smem:$0x3FB3]  }
0x2b: {  	s6 =	sld [smem:$0x3FB4]  }
0x2c: {  	s7 =	sld [smem:$0x3FB5]  }
0x2d: {  	s3 =	simm.s32 $0x108;
	s8 =	sld [smem:$0x3FB6]  }
0x2e: {  	s3 =	simm.s32 @!p0 $0x1082;
	s9 =	sld [smem:$0x3FB7]  }
0x2f: {  	lr =	sadd.s32 s0, s3;
	s0 =	sld [smem:$0x3FAE]  }
0x30: {  	s3 =	sld [smem:$0x3FB1]  }
0x31: {  	[smem:$0x3FBA] =	sst s10  }
0x32: {  	s10 =	sld [smem:$0x3FB8];
	_ =	sdelay $0x3  }
0x33: {  	p0 =	seq.s32 s10, $0x1;
	s10 =	sld [smem:$0x3FBA];
	_ =	sdelay $0x3  }
0x34: {  	[smem:$0x3FBA] =	sst s10  }
0x35: {  	s10 =	sld [smem:$0x3FB9];
	_ =	sdelay $0x3  }
0x36: {  	p1 =	seq.s32 s10, $0x1;
	s10 =	sld [smem:$0x3FBA];
	_ =	sdelay $0x3  }
0x37: {  	[smem:$0x3FBA] =	sst s10  }
0x38: {  	s10 =	sld [smem:$0x3FBB]  }
0x39: {  	_ = 	snop;
	(pc) =	sbr.ind lr, $3  }
0x3a: {  	_ = 	snop  }
0x3b: {  	_ = 	snop  }
0x3c: {  	p2 =	seq.s32 s10, $0x1;
	s10 =	sld [smem:$0x3FBA]  }
0x3d: {  	_ =	shalt  }
0x3e: {  	_ =	shalt  }
0x3f: {  	_ =	shalt  }
0x40: {  	_ =	shalt  }
0x41: {  	_ =	shalt  }
0x42: {  	_ =	shalt  }
0x43: {  	_ =	shalt  }
0x44: {  	_ =	shalt  }
0x45: {  	_ =	shalt  }
0x46: {  	_ =	shalt  }
0x47: {  	_ =	shalt  }
0x48: {  	_ =	shalt  }
0x49: {  	_ =	shalt  }
0x4a: {  	_ =	shalt  }
0x4b: {  	_ =	shalt  }
0x4c: {  	_ =	shalt  }
0x4d: {  	_ =	shalt  }
0x4e: {  	_ =	shalt  }
0x4f: {  	_ =	shalt  }
0x50: {  	_ =	shalt  }
0x51: {  	_ =	shalt  }
0x52: {  	_ =	shalt  }
0x53: {  	_ =	shalt  }
0x54: {  	_ =	shalt  }
0x55: {  	_ =	shalt  }
0x56: {  	_ =	shalt  }
0x57: {  	_ =	shalt  }
0x58: {  	_ =	shalt  }
0x59: {  	_ =	shalt  }
0x5a: {  	_ =	shalt  }
0x5b: {  	_ =	shalt  }
0x5c: {  	_ =	shalt  }
0x5d: {  	_ =	shalt  }
0x5e: {  	_ =	shalt  }
0x5f: {  	_ =	shalt  }
0x60: {  	_ =	shalt  }
0x61: {  	_ =	shalt  }
0x62: {  	_ =	shalt  }
0x63: {  	_ =	shalt  }
0x64: {  	_ =	shalt  }
0x65: {  	_ =	shalt  }
0x66: {  	_ =	shalt  }
0x67: {  	_ =	shalt  }
0x68: {  	_ =	shalt  }
0x69: {  	_ =	shalt  }
0x6a: {  	_ =	shalt  }
0x6b: {  	_ =	shalt  }
0x6c: {  	_ =	shalt  }
0x6d: {  	_ =	shalt  }
0x6e: {  	_ =	shalt  }
0x6f: {  	_ =	shalt  }
0x70: {  	_ =	shalt  }
0x71: {  	_ =	shalt  }
0x72: {  	_ =	shalt  }
0x73: {  	_ =	shalt  }
0x74: {  	_ =	shalt  }
0x75: {  	_ =	shalt  }
0x76: {  	_ =	shalt  }
0x77: {  	_ =	shalt  }
0x78: {  	_ =	shalt  }
0x79: {  	_ =	shalt  }
0x7a: {  	_ =	shalt  }
0x7b: {  	_ =	shalt  }
0x7c: {  	_ =	shalt  }
0x7d: {  	_ =	shalt  }
0x7e: {  	_ =	shalt  }
0x7f: {  	_ =	shalt  }
0x80: {  	_ =	shalt  }
0x81: {  	_ =	shalt  }
0x82: {  	_ =	shalt  }
0x83: {  	_ =	shalt  }
0x84: {  	_ =	shalt  }
0x85: {  	_ =	shalt  }
0x86: {  	_ =	shalt  }
0x87: {  	_ =	shalt  }
.Lfunc_end0:
.L_simem_size_0:
called_computation_lowered:
.L_overlay_start_0:
0x88: {  	s2 =	sld [smem:$0x3FD9]  }
0x89: {  	s3 =	sld [smem:$0x3FFE];
	_ =	sdelay $0x1  }
0x8a: {  	s1 =	srdreg.scid  }
0x8b: {  	s0 =	sand.u32 $0x1, s1  }
0x8c: {  	s17 =	sshll.u32 s0, $0xA;
	s2 =	sadd.s32 s3, s2  }
0x8d: {  	s2 =	sadd.s32 s2, s17  }
0x8e: {  	[smem:$0x3FC6] =	sst s2  }
0x8f: {  	_ = 	snop  }
0x90: {  	s2 =	sld [smem:$0x3FC8];
	(tm) =	ssettm $0x1  }
0x91: {  	s18 =	sld [smem:$0x3FFB];
	_ =	sdelay $0x3  }
0x92: {  	_ =	strace s18  }
0x93: {  	s3 =	sld [smem:$0x3FFC];
	_ =	sdelay $0x3  }
0x94: {  	_ =	strace s3  }
0x95: {  	s3 =	sld [smem:$0x3FFD];
	_ =	sdelay $0x3  }
0x96: {  	_ =	strace s3  }
0x97: {  	_ =	strace $0x8FFFFFFF  }
0x98: {  	s19 =	sld [smem:$0x3FDB];
	_ =	sdelay $0x1  }
0x99: {  	s4 =	simm.s32 $_scs_section_size  }
0x9a: {  	s5 =	simm.s32 $_size__tile_overlayer_lowered;
	s6 =	simm.s32 $_tile_overlayer_lowered  }
0x9b: {  	s22 =	simm.s32 $0x1BFF;
	s21 =	sshll.u32 s6, $0x1;
	s3 =	sadd.s32 s4, s19  }
0x9c: {  	s7 =	simm.s32 $0x0;
	s20 =	sshll.u32 s5, $0x1;
	s5 =	sadd.s32 s21, s3  }
0x9d: {  	[timem:s7], [sflag:s22] =	dma.local [hbm:s5], s20  }
0x9e: {  	_ =	swait.ge [sflag:s22], s20  }
0x9f: {  	s4 =	ssub.s32 $0x0, s20;
	[sflag:s22] =	ssyncset.done $0x0  }
0xa0: {  	[sflag:s22] =	ssyncadd.s32 s4;
	_ =	sdelay $0x1  }
0xa1: {  	s23 =	simm.s32 $0x1B8B  }
0xa2: {  	_ =	swait.ge [sflag:s23], $0x1  }
0xa3: {  	[sflag:s23] =	ssyncset.done $0x0  }
0xa4: {  	s25 =	simm.s32 $0x1B8E;
	s24 =	sld [smem:$0x3FFE];
	[sflag:s23] =	ssyncadd.s32 $0xFFFFFFFF  }
0xa5: {  	s26 =	simm.s32 $execute0_lowered;
	[smem:$0x3FD2] =	sst s25  }
0xa6: {  	s5 =	sshll.u32 s26, $0x1;
	_ =	strace $0x80000046;
	[dreg:$0x1] =	wrdreg $0xFFFFFFFF  }
0xa7: {  	s28 =	simm.s32 $_size_execute0_lowered;
	s3 =	sadd.s32 s3, s5;
	[dreg:$0x0] =	wrdreg $0x0  }
0xa8: {  	s5 =	sshll.u32 s28, $0x1;
	[dreg:$0x2] =	wrdreg s3  }
0xa9: {  	[dreg:$0x3] =	wrdreg s5  }
0xaa: {  	[dreg:$0x4] =	wrdreg $0xC0  }
0xab: {  	_ =	task [dreg:s7], $0x5FFFF  }
0xac: {  	[dreg:$0x1] =	wrdreg $0xFFFFFFFF  }
0xad: {  	[dreg:$0x0] =	wrdreg $0x60  }
0xae: {  	[dreg:$0x2] =	wrdreg s2  }
0xaf: {  	[dreg:$0x3] =	wrdreg s24  }
0xb0: {  	[dreg:$0x4] =	wrdreg $0x9  }
0xb1: {  	_ =	task.clear_ibuf [dreg:s7], $0x5FFFF;
	_ =	strace $0x90000046  }
0xb2: {  	s29 =	simm.s32 $0x9;
	_ =	strace $0x80000048  }
0xb3: {  	_ =	swait.ge [sflag:s29], $0x1  }
0xb4: {  	[sflag:s29] =	ssyncadd.s32 $0xFFFFFFFF  }
0xb5: {  	_ =	strace $0x90000048  }
0xb6: {  	_ =	sfence  }
0xb7: {  	s30 =	sld [smem:$0x0];
	_ =	sdelay $0x2  }
0xb8: {  	s31 =	sshll.u32 s1, $0xD;
	s1 =	sshrl.u32 s1, $0x2  }
0xb9: {  	s3 =	sand.u32 $0x4000, s31;
	s1 =	sadd.s32 s1, s30  }
0xba: {  	s0 =	sor.u32 s3, s0;
	s1 =	sshll.u32 s1, $0x11  }
0xbb: {  	s0 =	sor.u32 s1, s0  }
0xbc: {  	s0 =	sadd.s32 $0x8F2B, s0  }
0xbd: {  	[sflag:s0] =	ssyncadd.remote.s32 $0x1  }
0xbe: {  	_ =	sfence.sel $0xFFFF  }
0xbf: {  	[dreg:$0x0] =	wrdreg $0xFFFFFFFF;
	(pc) =	sbr.abs _section_cstart, $3  }
0xc0: {  	[dreg:$0x1] =	wrdreg $0xFFFFFFFF  }
0xc1: {  	_ =	task.clear_ibuf [dreg:s7], $0x2FFFF;
	_ =	strace $0x9FFFFFFF  }
0xc2: {  	(tm) =	ssettm $0x7FFFFFFF  }
0xc3: {  	_ =	shalt  }
tec
execute0_lowered:
.L_overlay_start_1:
0x0: {  	(tag) =	ssettag $0x1  }
0x1: {  	s3 =	rddreg [dreg:$0x0]  }
0x2: {  	s4 =	rddreg [dreg:$0x1]  }
0x3: {  	s0 =	rddreg [dreg:$0x2];
	s2 =	simm.s32 $0x0;
	s5 =	srdreg.scid  }
0x4: {  	s1 =	stileid.u32;
	[smem:$0x7FF] =	sst s2;
	s5 =	sand.u32 $0x1, s5  }
0x5: {  	s6 =	sshll.u32 s1, $0x8;
	s7 =	sshll.u32 s1, $0x5;
	s8 =	sshll.u32 s5, $0x4  }
0x6: {  	s6 =	sand.u32 $0xC00, s6;
	s5 =	ssub.s32 $0x2, s5;
	_ =	strace $0x80000047  }
0x7: {  	s7 =	sor.u32 s8, s7;
	s4 =	sadd.s32 s6, s4;
	s31 =	sshrl.u32 s5, $0x1  }
0x8: {  	s6 =	simm.s32 $0x1;
	s8 =	sand.u32 $0x70, s7;
	s5 =	ssub.s32 s5, s31  }
0x9: {  	s3 =	sadd.s32 s3, s7;
	s7 =	simm.s32 $0x80;
	s4 =	sadd.s32 s8, s4  }
0xa: {  	v0 =	vimm.f32 $0.0e+00;
	v1 =	vimm.f32 $1.000000000e+00;
	s5 =	smax.u32 s5, $0x1;
	s8 =	simm.s32 $0x400;
	s4 =	sadd.s32 $0x600, s4  }
.LBB2_1:
0xb: {  	[tilespmem:s2], [sflag:$0x1] =	stream.linear.gather [hbm4b:s3+s2], $0x80, $0x38;
	[tilespmem:$0x480] =	vst v63  }
0xc: {  	_ =	swait.ge [sflag:s6], $0x80  }
0xd: {  	[sflag:s6] =	ssyncset.done $0x0  }
0xe: {  	[sflag:s6] =	ssyncadd.s32 $0xFFFFFF80  }
0xf: {  	[tilespmem:$0x80] =	vst v0  }
0x10: {  	[tilespmem:$0x90] =	vst v0  }
0x11: {  	[tilespmem:$0xA0] =	vst v0  }
0x12: {  	[tilespmem:$0xB0] =	vst v0  }
0x13: {  	[tilespmem:$0xC0] =	vst v0  }
0x14: {  	[tilespmem:$0xD0] =	vst v0  }
0x15: {  	[tilespmem:$0xE0] =	vst v0  }
0x16: {  	[tilespmem:$0xF0] =	vst v0  }
0x17: {  	[tilespmem:$0x100] =	vst v0  }
0x18: {  	[tilespmem:$0x110] =	vst v0  }
0x19: {  	[tilespmem:$0x120] =	vst v0  }
0x1a: {  	[tilespmem:$0x130] =	vst v0  }
0x1b: {  	[tilespmem:$0x140] =	vst v0  }
0x1c: {  	[tilespmem:$0x150] =	vst v0  }
0x1d: {  	[tilespmem:$0x160] =	vst v0  }
0x1e: {  	[tilespmem:$0x170] =	vst v0  }
0x1f: {  	[tilespmem:$0x180] =	vst v0  }
0x20: {  	[tilespmem:$0x190] =	vst v0  }
0x21: {  	[tilespmem:$0x1A0] =	vst v0  }
0x22: {  	[tilespmem:$0x1B0] =	vst v0  }
0x23: {  	[tilespmem:$0x1C0] =	vst v0  }
0x24: {  	[tilespmem:$0x1D0] =	vst v0  }
0x25: {  	[tilespmem:$0x1E0] =	vst v0  }
0x26: {  	[tilespmem:$0x1F0] =	vst v0  }
0x27: {  	[tilespmem:$0x200] =	vst v0  }
0x28: {  	[tilespmem:$0x210] =	vst v0  }
0x29: {  	[tilespmem:$0x220] =	vst v0  }
0x2a: {  	[tilespmem:$0x230] =	vst v0  }
0x2b: {  	[tilespmem:$0x240] =	vst v0  }
0x2c: {  	[tilespmem:$0x250] =	vst v0  }
0x2d: {  	[tilespmem:$0x260] =	vst v0  }
0x2e: {  	[tilespmem:$0x270] =	vst v0  }
0x2f: {  	[tilespmem:$0x280] =	vst v0  }
0x30: {  	[tilespmem:$0x290] =	vst v0  }
0x31: {  	[tilespmem:$0x2A0] =	vst v0  }
0x32: {  	[tilespmem:$0x2B0] =	vst v0  }
0x33: {  	[tilespmem:$0x2C0] =	vst v0  }
0x34: {  	[tilespmem:$0x2D0] =	vst v0  }
0x35: {  	[tilespmem:$0x2E0] =	vst v0  }
0x36: {  	[tilespmem:$0x2F0] =	vst v0  }
0x37: {  	[tilespmem:$0x300] =	vst v0  }
0x38: {  	[tilespmem:$0x310] =	vst v0  }
0x39: {  	[tilespmem:$0x320] =	vst v0  }
0x3a: {  	[tilespmem:$0x330] =	vst v0  }
0x3b: {  	[tilespmem:$0x340] =	vst v0  }
0x3c: {  	[tilespmem:$0x350] =	vst v0  }
0x3d: {  	[tilespmem:$0x360] =	vst v0  }
0x3e: {  	[tilespmem:$0x370] =	vst v0  }
0x3f: {  	[tilespmem:$0x380] =	vst v0  }
0x40: {  	[tilespmem:$0x390] =	vst v0  }
0x41: {  	[tilespmem:$0x3A0] =	vst v0  }
0x42: {  	[tilespmem:$0x3B0] =	vst v0  }
0x43: {  	[tilespmem:$0x3C0] =	vst v0  }
0x44: {  	[tilespmem:$0x3D0] =	vst v0  }
0x45: {  	[tilespmem:$0x3E0] =	vst v0  }
0x46: {  	[tilespmem:$0x3F0] =	vst v0  }
0x47: {  	[tilespmem:$0x400] =	vst v0;
	v2 =	vld [tilespmem:$0x0]  }
0x48: {  	[tilespmem:$0x410] =	vst v0  }
0x49: {  	[tilespmem:$0x420] =	vst v0  }
0x4a: {  	[tilespmem:$0x430] =	vst v0  }
0x4b: {  	[tilespmem:$0x440] =	vst v0  }
0x4c: {  	[tilespmem:$0x450] =	vst v0  }
0x4d: {  	[tilespmem:$0x460] =	vst v0  }
0x4e: {  	[tilespmem:$0x470] =	vst v0  }
0x4f: {  	[tilespmem:v2+s7+$0x0] =	vst.idx.add.f32.msk $0xffff, v1  }
0x50: {  	v2 =	vld [tilespmem:$0x10];
	_ =	sdelay $0x7  }
0x51: {  	[tilespmem:v2+s7+$0x0] =	vst.idx.add.f32.msk $0xffff, v1  }
0x52: {  	v2 =	vld [tilespmem:$0x20];
	_ =	sdelay $0x7  }
0x53: {  	[tilespmem:v2+s7+$0x0] =	vst.idx.add.f32.msk $0xffff, v1  }
0x54: {  	v2 =	vld [tilespmem:$0x30];
	_ =	sdelay $0x7  }
0x55: {  	[tilespmem:v2+s7+$0x0] =	vst.idx.add.f32.msk $0xffff, v1  }
0x56: {  	v2 =	vld [tilespmem:$0x40];
	_ =	sdelay $0x7  }
0x57: {  	[tilespmem:v2+s7+$0x0] =	vst.idx.add.f32.msk $0xffff, v1  }
0x58: {  	v2 =	vld [tilespmem:$0x50];
	_ =	sdelay $0x7  }
0x59: {  	[tilespmem:v2+s7+$0x0] =	vst.idx.add.f32.msk $0xffff, v1  }
0x5a: {  	v2 =	vld [tilespmem:$0x60];
	_ =	sdelay $0x7  }
0x5b: {  	[tilespmem:v2+s7+$0x0] =	vst.idx.add.f32.msk $0xffff, v1  }
0x5c: {  	v2 =	vld [tilespmem:$0x70];
	_ =	sdelay $0x6  }
0x5d: {  	p0 =	sne.s32 s5, $0x1  }
.Ltmp0:
0x5e: {  	[tilespmem:v2+s7+$0x0] =	vst.idx.add.f32.msk $0xffff, v1;
	(pc) =	sbr.rel @p0 .LBB2_1-.Ltmp0, $4  }
0x5f: {  	[hbm4b:s4+s7] =	stream.strided.scatter [tilespmem:s7], [sflag:$0x1], $0x400, s8, s7, $0x38;
	[tilespmem:$0x480] =	vst v63  }
0x60: {  	_ =	swait.ge [sflag:s6], $0x400  }
0x61: {  	[sflag:s6] =	ssyncset.done $0x0  }
0x62: {  	s5 =	sadd.s32 $0xFFFFFFFF, s5;
	[sflag:s6] =	ssyncadd.s32 $0xFFFFFC00  }
0x63: {  	_ =	sfence.sel $0x180000  }
0x64: {  	[bflag:$0x0] =	sbarrier.arrive $0xFFFF  }
0x65: {  	p0 =	sne.s32 s1, $0x0;
	_ =	strace $0x90000047  }
0x66: {  	s0 =	sadd.s32 @!p0 $0x100000, s0;
	[bflag:$0x2] =	sbarrier.arrive $0xFFFF  }
0x67: {  	[sflag:s0] =	ssyncadd.tile.s32 @!p0 $0x1;
	_ =	shalt  }
.Lfunc_end2:
_tile_overlayer_lowered:
.L_overlay_start_2:
0x68: {  	(tag) =	ssettag $0x2  }
0x69: {  	s0 =	rddreg [dreg:$0x0];
	s2 =	stileid.u32  }
0x6a: {  	s1 =	rddreg [dreg:$0x1];
	p0 =	sne.s32 s2, $0x0  }
0x6b: {  	s3 =	rddreg [dreg:$0x2];
	[bflag:$0x3] =	sbarrier.arrive $0xFFFF;
	s2 =	simm.s32 @!p0 $0x1C01  }
0x6c: {  	[timem:s3], [sflag:s2] =	dma.local @!p0 [hbm:s0], s1  }
0x6d: {  	s0 =	simm.s32 @!p0 $0x1  }
0x6e: {  	_ =	swait.ge @!p0 [sflag:s0], s1  }
0x6f: {  	s1 =	ssub.s32 @!p0 $0x0, s1;
	[sflag:s0] =	ssyncset.done @!p0 $0x0  }
0x70: {  	[sflag:s0] =	ssyncadd.s32 @!p0 s1  }
0x71: {  	[bflag:$0x3] =	sbarrier.arrive $0xFFFF  }
0x72: {  	_ =	shalt  }

</sc_bundles>
